<compile_context>
chip_gen: v7x
topology: tpu7x:2x2x1
jax: 0.10.2.dev20260603
libtpu: 0.0.44.dev20260713+nightly
codegen_flags: <defaults>
</compile_context>

<pallas_src>
import dataclasses
import functools

import jax
import jax.numpy as jnp
from jax import lax
from jax.experimental import pallas as pl
from jax.experimental.pallas import tpu as pltpu
from jax.experimental.pallas import tpu_sc as plsc

N = 10000
E = 320000
D = 128
H = 128
OUT = 128
G = 64

NC = 2
NS = 16
NW = NC * NS
LANES = 16

C = 125
CPT = 80
EPT = CPT * C
NP = 10112
RPT = NP // NS
NL = 10016

BR = 1000
NBLK = N // BR

_mesh = plsc.VectorSubcoreMesh(core_axis_name="c", subcore_axis_name="s")

_sc_params = pltpu.CompilerParams()
if "needs_layout_passes" in pltpu.CompilerParams.__dataclass_fields__:
    _sc_params = dataclasses.replace(_sc_params, needs_layout_passes=False)

F32 = jnp.float32


@jax.jit
def _degree_partials(edge_flat):

    @functools.partial(
        pl.kernel,
        out_type=jax.ShapeDtypeStruct((NW, NL), F32),
        mesh=_mesh,
        compiler_params=_sc_params,
        scratch_types=[
            pltpu.VMEM((EPT,), jnp.int32),
            pltpu.VMEM((NL,), F32),
            pltpu.SemaphoreType.DMA,
        ],
    )
    def deg_kernel(dst_hbm, out_hbm, idx_v, hist_v, sem):
        cid = lax.axis_index("c")
        sid = lax.axis_index("s")
        wid = cid * NS + sid
        zeros16 = jnp.zeros((LANES,), F32)
        ones16 = jnp.ones((LANES,), F32)

        cp = pltpu.async_copy(dst_hbm.at[pl.ds(E + wid * EPT, EPT)], idx_v, sem)

        @pl.loop(0, NL, step=LANES)
        def _(i):
            hist_v[pl.ds(i, LANES)] = zeros16

        cp.wait()

        @pl.loop(0, EPT, step=LANES)
        def _(c):
            iv = idx_v[pl.ds(c, LANES)]
            plsc.addupdate_scatter(hist_v, [iv], ones16)

        pltpu.sync_copy(hist_v, out_hbm.at[wid])

    return deg_kernel(edge_flat)


@jax.jit
def _edge_scatter(y, ei3):

    @functools.partial(
        pl.kernel,
        out_type=jax.ShapeDtypeStruct((NC, NP, D), F32),
        mesh=_mesh,
        compiler_params=_sc_params,
        scratch_types=[
            pltpu.VMEM((C,), jnp.int32),
            pltpu.VMEM((C,), jnp.int32),
            pltpu.VMEM((C,), jnp.int32),
            pltpu.VMEM((C,), jnp.int32),
            pltpu.VMEM((C,), jnp.int32),
            pltpu.VMEM((C,), jnp.int32),
            pltpu.VMEM((C, D), F32),
            pltpu.VMEM((C, D), F32),
            pltpu.VMEM((C, D), F32),
            pltpu.VMEM_SHARED((NP, D), F32),
            pltpu.SemaphoreType.DMA,
            pltpu.SemaphoreType.DMA,
            pltpu.SemaphoreType.DMA,
        ],
    )
    def scat_kernel(y_hbm, ei_hbm, out_hbm,
                    srcv0, dstv0, srcv1, dstv1, srcv2, dstv2,
                    rows0, rows1, rows2, acc, sem0, sem1, sem2):
        cid = lax.axis_index("c")
        sid = lax.axis_index("s")
        wid = cid * NS + sid
        base = wid * CPT
        src_hbm = ei_hbm.at[0]
        dst_hbm = ei_hbm.at[1]
        srcv = (srcv0, srcv1, srcv2)
        dstv = (dstv0, dstv1, dstv2)
        rows = (rows0, rows1, rows2)
        sem = (sem0, sem1, sem2)
        zeros16 = jnp.zeros((LANES,), F32)

        for k in (0, 1):
            pltpu.sync_copy(src_hbm.at[base + k], srcv[k])
            pltpu.sync_copy(dst_hbm.at[base + k], dstv[k])
            pltpu.async_copy(y_hbm.at[srcv[k]], rows[k], sem[k])

        @pl.loop(0, C)
        def _(r):
            for j in range(D // LANES):
                rows2[r, pl.ds(j * LANES, LANES)] = zeros16

        for k in range(RPT // 120):
            pltpu.sync_copy(rows2.at[pl.ds(0, 120)],
                            acc.at[pl.ds(sid * RPT + k * 120, 120)])
        pltpu.sync_copy(rows2.at[pl.ds(0, RPT - (RPT // 120) * 120)],
                        acc.at[pl.ds(sid * RPT + (RPT // 120) * 120,
                                     RPT - (RPT // 120) * 120)])

        plsc.subcore_barrier()

        pltpu.sync_copy(src_hbm.at[base + 2], srcv2)
        pltpu.sync_copy(dst_hbm.at[base + 2], dstv2)
        pltpu.async_copy(y_hbm.at[srcv2], rows2, sem2)

        @pl.loop(0, CPT, step=3)
        def _(c):
            for k in range(3):
                @pl.when(c + k < CPT)
                def _():
                    pltpu.make_async_copy(y_hbm.at[srcv[k]], rows[k],
                                          sem[k]).wait()
                    pltpu.sync_copy(rows[k], acc.at[dstv[k]], add=True)

                    @pl.when(c + k + 3 < CPT)
                    def _():
                        pltpu.sync_copy(src_hbm.at[base + c + k + 3], srcv[k])
                        pltpu.sync_copy(dst_hbm.at[base + c + k + 3], dstv[k])
                        pltpu.async_copy(y_hbm.at[srcv[k]], rows[k], sem[k])

        plsc.subcore_barrier()
        pltpu.sync_copy(acc.at[pl.ds(sid * RPT, RPT)],
                        out_hbm.at[cid, pl.ds(sid * RPT, RPT)])

    return scat_kernel(y, ei3)


def _dinv_of(hist_blk):
    deg = jnp.sum(hist_blk, axis=1) + 1.0
    return lax.rsqrt(deg).reshape(-1, 1)


def _enc_body(x_ref, w1_ref, b1_ref, w2_ref, b2_ref, gw_ref, xw_ref):
    h = jnp.maximum(
        jnp.dot(x_ref[...], w1_ref[...], preferred_element_type=F32)
        + b1_ref[...], 0.0)
    h = jnp.dot(h, w2_ref[...], preferred_element_type=F32) + b2_ref[...]
    xw_ref[...] = jnp.dot(h, gw_ref[...], preferred_element_type=F32)


@jax.jit
def _enc(x, w1, b1, w2, b2, gw):
    return pl.pallas_call(
        _enc_body,
        grid=(NBLK,),
        in_specs=[
            pl.BlockSpec((BR, D), lambda i: (i, 0)),
            pl.BlockSpec((D, H), lambda i: (0, 0)),
            pl.BlockSpec((1, H), lambda i: (0, 0)),
            pl.BlockSpec((H, H), lambda i: (0, 0)),
            pl.BlockSpec((1, H), lambda i: (0, 0)),
            pl.BlockSpec((H, H), lambda i: (0, 0)),
        ],
        out_specs=pl.BlockSpec((BR, H), lambda i: (i, 0)),
        out_shape=jax.ShapeDtypeStruct((N, H), F32),
    )(x, w1, b1, w2, b2, gw)


def _scale_body(xw_ref, hist_ref, y_ref):
    y_ref[...] = xw_ref[...] * _dinv_of(hist_ref[...])


@jax.jit
def _scale(xw, hist):
    return pl.pallas_call(
        _scale_body,
        grid=(NBLK,),
        in_specs=[
            pl.BlockSpec((BR, H), lambda i: (i, 0)),
            pl.BlockSpec((BR, NW), lambda i: (i, 0)),
        ],
        out_specs=pl.BlockSpec((BR, H), lambda i: (i, 0)),
        out_shape=jax.ShapeDtypeStruct((N, H), F32),
    )(xw, hist)


def _mid_body(acc_ref, y_ref, hist_ref, b_ref, gw_ref, y2_ref):
    dinv = _dinv_of(hist_ref[...])
    s = acc_ref[0] + acc_ref[1] + y_ref[...]
    h = jnp.maximum(s * dinv + b_ref[...], 0.0)
    y2_ref[...] = jnp.dot(h, gw_ref[...], preferred_element_type=F32) * dinv


@jax.jit
def _mid(acc, y, hist, b, gw):
    return pl.pallas_call(
        _mid_body,
        grid=(NBLK,),
        in_specs=[
            pl.BlockSpec((NC, BR, H), lambda i: (0, i, 0)),
            pl.BlockSpec((BR, H), lambda i: (i, 0)),
            pl.BlockSpec((BR, NW), lambda i: (i, 0)),
            pl.BlockSpec((1, H), lambda i: (0, 0)),
            pl.BlockSpec((H, H), lambda i: (0, 0)),
        ],
        out_specs=pl.BlockSpec((BR, H), lambda i: (i, 0)),
        out_shape=jax.ShapeDtypeStruct((N, H), F32),
    )(acc, y, hist, b, gw)


def _final_body(acc_ref, y_ref, hist_ref, batch_ref, b_ref,
                dw1_ref, db1_ref, dw2_ref, db2_ref, out_ref, pool_scr):
    i = pl.program_id(0)
    dinv = _dinv_of(hist_ref[...])
    s = acc_ref[0] + acc_ref[1] + y_ref[...]
    h = jnp.maximum(s * dinv + b_ref[...], 0.0)
    b = batch_ref[0, 0]
    oh = (b[:, None] == lax.broadcasted_iota(jnp.int32, (BR, G), 1)).astype(F32)
    part = lax.dot_general(oh, h, (((0,), (0,)), ((), ())),
                           preferred_element_type=F32)

    @pl.when(i == 0)
    def _():
        pool_scr[...] = part

    @pl.when(i > 0)
    def _():
        pool_scr[...] += part

    @pl.when(i == NBLK - 1)
    def _():
        pooled = pool_scr[...]
        d = jnp.maximum(
            jnp.dot(pooled, dw1_ref[...], preferred_element_type=F32)
            + db1_ref[...], 0.0)
        out_ref[...] = (jnp.dot(d, dw2_ref[...], preferred_element_type=F32)
                        + db2_ref[...])


@jax.jit
def _final(acc, y, hist, batch3, b, dw1, db1, dw2, db2):
    return pl.pallas_call(
        _final_body,
        grid=(NBLK,),
        in_specs=[
            pl.BlockSpec((NC, BR, H), lambda i: (0, i, 0)),
            pl.BlockSpec((BR, H), lambda i: (i, 0)),
            pl.BlockSpec((BR, NW), lambda i: (i, 0)),
            pl.BlockSpec((1, 1, BR), lambda i: (i, 0, 0)),
            pl.BlockSpec((1, H), lambda i: (0, 0)),
            pl.BlockSpec((H, H), lambda i: (0, 0)),
            pl.BlockSpec((1, H), lambda i: (0, 0)),
            pl.BlockSpec((H, OUT), lambda i: (0, 0)),
            pl.BlockSpec((1, OUT), lambda i: (0, 0)),
        ],
        out_specs=pl.BlockSpec((G, OUT), lambda i: (0, 0)),
        out_shape=jax.ShapeDtypeStruct((G, OUT), F32),
        scratch_shapes=[pltpu.VMEM((G, H), F32)],
    )(acc, y, hist, batch3, b, dw1, db1, dw2, db2)


@jax.jit
def kernel(x, edge_index, batch, enc_W1, enc_b1, enc_W2, enc_b2,
           gW0, gb0, gW1, gb1, dec_W1, dec_b1, dec_W2, dec_b2):
    ei3 = edge_index.reshape(2, NW * CPT, C)
    batch3 = batch.reshape(NBLK, 1, BR)

    hist = _degree_partials(edge_index.reshape(2 * E)).T

    xw = _enc(x, enc_W1, enc_b1.reshape(1, H), enc_W2,
              enc_b2.reshape(1, H), gW0)
    y1 = _scale(xw, hist)
    acc1 = _edge_scatter(y1, ei3)
    y2 = _mid(acc1, y1, hist, gb0.reshape(1, H), gW1)
    acc2 = _edge_scatter(y2, ei3)
    return _final(acc2, y2, hist, batch3, gb1.reshape(1, H),
                  dec_W1, dec_b1.reshape(1, H), dec_W2, dec_b2.reshape(1, OUT))

# --- scband reference (transcript-rebuilt; emitter-appended) ---
"""Pipeline reference for scband-gcn-16338055594649 (READ-ONLY COPY).

The authoritative reference and input builder live on the scoring server;
editing this copy changes nothing except your own understanding.
"""

import jax, jax.numpy as jnp
import numpy as np

N = 10000
E = 320000
D = 128
H = 128
OUT = 128
G = 64


def _init_linear(key, fan_in, fan_out):
    kw, kb = jax.random.split(key)
    bound = 1.0 / np.sqrt(fan_in)
    W = jax.random.uniform(kw, (fan_in, fan_out), minval=-bound, maxval=bound, dtype=jnp.float32)
    b = jax.random.uniform(kb, (fan_out,), minval=-bound, maxval=bound, dtype=jnp.float32)
    return W, b


def setup_inputs(seed: int = 0) -> dict:
    key = jax.random.key(seed)
    ks = jax.random.split(key, 10)
    x = jax.random.normal(ks[0], (N, D), dtype=jnp.float32)
    edge_index = jax.random.randint(ks[1], (2, E), 0, N, dtype=jnp.int32)
    batch = jnp.sort(jax.random.randint(ks[2], (N,), 0, G, dtype=jnp.int32))
    enc_W1, enc_b1 = _init_linear(ks[3], D, H)
    enc_W2, enc_b2 = _init_linear(ks[4], H, H)
    gW0, gb0 = _init_linear(ks[5], H, H)
    gW1, gb1 = _init_linear(ks[6], H, H)
    dec_W1, dec_b1 = _init_linear(ks[7], H, H)
    dec_W2, dec_b2 = _init_linear(ks[8], H, OUT)
    return {"x": x, "edge_index": edge_index, "batch": batch,
            "enc_W1": enc_W1, "enc_b1": enc_b1, "enc_W2": enc_W2, "enc_b2": enc_b2,
            "gW0": gW0, "gb0": gb0, "gW1": gW1, "gb1": gb1,
            "dec_W1": dec_W1, "dec_b1": dec_b1, "dec_W2": dec_W2, "dec_b2": dec_b2}


def _mlp_block(x, W1, b1, W2, b2):
    # Linear -> ReLU -> (dropout=0, eval) -> Linear
    h = jax.nn.relu(x @ W1 + b1)
    return h @ W2 + b2


def _gcn_conv(x, edge_index, W, b):
    # GCNConv (Kipf & Welling): x' = D^{-1/2} (A + I) D^{-1/2} X W + b
    xw = x @ W
    src = edge_index[0]
    dst = edge_index[1]
    loop = jnp.arange(N, dtype=src.dtype)
    src = jnp.concatenate([src, loop])
    dst = jnp.concatenate([dst, loop])
    deg = jax.ops.segment_sum(jnp.ones(src.shape, dtype=xw.dtype), dst, num_segments=N)
    dinv = jnp.where(deg > 0, deg ** -0.5, 0.0)
    norm = dinv[src] * dinv[dst]
    msgs = xw[src] * norm[:, None]
    out = jax.ops.segment_sum(msgs, dst, num_segments=N)
    return out + b


def reference(x, edge_index, batch, enc_W1, enc_b1, enc_W2, enc_b2, gW0, gb0, gW1, gb1, dec_W1, dec_b1, dec_W2, dec_b2):
    # encoder MLP
    h = _mlp_block(x, enc_W1, enc_b1, enc_W2, enc_b2)
    # GCN block: conv_depth=2, non-linear (ReLU), dropout=0 (eval), control_type='null'
    h = jax.nn.relu(_gcn_conv(h, edge_index, gW0, gb0))
    h = jax.nn.relu(_gcn_conv(h, edge_index, gW1, gb1))
    # global_add_pool over batch assignment (graph-level readout)
    pooled = jax.ops.segment_sum(h, batch, num_segments=G)
    # decoder MLP
    out = _mlp_block(pooled, dec_W1, dec_b1, dec_W2, dec_b2)
    return out

if __name__ == "__main__":
    import jax
    _d = setup_inputs()
    print(jax.jit(kernel)(*tuple(_d.values())))

</pallas_src>

<mosaic_0001>
#map = affine_map<(d0, d1) -> (0)>
#map1 = affine_map<(d0, d1) -> (0, 0)>
module attributes {stable_mosaic.version = 14 : i64} {
  func.func @deg_kernel(%arg0: i32, %arg1: i32, %arg2: memref<640000xi32, #tpu.memory_space<hbm>>, %arg3: memref<32x10016xf32, #tpu.memory_space<hbm>>, %arg4: memref<10000xi32, #tpu.memory_space<vmem>>, %arg5: memref<10016xf32, #tpu.memory_space<vmem>>, %arg6: memref<!tpu.dma_semaphore, #tpu.memory_space<semaphore_mem>>) attributes {dimension_semantics = [#tpu.dimension_semantics<core_parallel>, #tpu.dimension_semantics<subcore_parallel>], iteration_bounds = array<i64: 2, 16>, scalar_prefetch = 0 : i64, scratch_operands = 3 : i64, tpu.core_type = #tpu.core_type<sc_vector_subcore>, window_params = [{transform_indices = #map}, {transform_indices = #map1}]} {
    %mul3A = arith.constant 16 : i32
    %mul3A_0 = arith.muli %arg0, %mul3A : i32
    %add3A = arith.addi %mul3A_0, %arg1 : i32
    %broadcast_in_dim3A = arith.constant 0.000000e+00 : f32
    %broadcast_in_dim3A_1 = vector.broadcast %broadcast_in_dim3A : f32 to vector<16xf32>
    %broadcast_in_dim3A_2 = arith.constant 1.000000e+00 : f32
    %broadcast_in_dim3A_3 = vector.broadcast %broadcast_in_dim3A_2 : f32 to vector<16xf32>
    %mul3A_4 = arith.constant 10000 : i32
    %mul3A_5 = arith.muli %add3A, %mul3A_4 : i32
    %add3A_6 = arith.constant 320000 : i32
    %add3A_7 = arith.addi %add3A_6, %mul3A_5 : i32
    %dma_start3A = tpu.memref_slice %arg2[%add3A_7] : memref<640000xi32, #tpu.memory_space<hbm>> -> memref<10000xi32, #tpu.memory_space<hbm>>
    %dma_start3A_8 = tpu.memref_slice %arg2[%add3A_7] : memref<640000xi32, #tpu.memory_space<hbm>> -> memref<10000xi32, #tpu.memory_space<hbm>>
    tpu.enqueue_dma source(%dma_start3A_8 : memref<10000xi32, #tpu.memory_space<hbm>>) target(%arg4 : memref<10000xi32, #tpu.memory_space<vmem>>) target_semaphore(%arg6 : memref<!tpu.dma_semaphore, #tpu.memory_space<semaphore_mem>>)
    %scan3A = arith.constant 0 : i32
    %scan3A_9 = arith.constant 626 : i32
    %scan3A_10 = arith.addi %scan3A, %scan3A_9 : i32
    %scan3A_11 = arith.constant 1 : i32
    scf.for %scan3A_19 = %scan3A to %scan3A_10 step %scan3A_11  : i32 {
      %mul3A_20 = arith.constant 16 : i32
      %mul3A_21 = arith.muli %scan3A_19, %mul3A_20 : i32
      %add3A_22 = arith.constant 0 : i32
      %add3A_23 = arith.addi %add3A_22, %mul3A_21 : i32
      %swap3A = arith.index_cast %add3A_23 : i32 to index
      %swap3A_24 = tpu.vector_load %arg5[%swap3A] {strides = array<i32>} : memref<10016xf32, #tpu.memory_space<vmem>>, vector<16xf32>,
      tpu.vector_store %arg5[%swap3A], %broadcast_in_dim3A_1 {strides = array<i32>} : memref<10016xf32, #tpu.memory_space<vmem>>, vector<16xf32>,
    }
    %scan3A_12 = arith.constant 626 : i32
    %dma_wait3A = tpu.memref_slice %arg2[%add3A_7] : memref<640000xi32, #tpu.memory_space<hbm>> -> memref<10000xi32, #tpu.memory_space<hbm>>
    %dma_wait3A_13 = tpu.memref_slice %arg2[%add3A_7] : memref<640000xi32, #tpu.memory_space<hbm>> -> memref<10000xi32, #tpu.memory_space<hbm>>
    tpu.wait_dma2 semaphore(%arg6 : memref<!tpu.dma_semaphore, #tpu.memory_space<semaphore_mem>>) src(%dma_wait3A_13 : memref<10000xi32, #tpu.memory_space<hbm>>) dst(%arg4 : memref<10000xi32, #tpu.memory_space<vmem>>)
    %scan3A_14 = arith.constant 0 : i32
    %scan3A_15 = arith.constant 625 : i32
    %scan3A_16 = arith.addi %scan3A_14, %scan3A_15 : i32
    %scan3A_17 = arith.constant 1 : i32
    scf.for %scan3A_19 = %scan3A_14 to %scan3A_16 step %scan3A_17  : i32 {
      %mul3A_20 = arith.constant 16 : i32
      %mul3A_21 = arith.muli %scan3A_19, %mul3A_20 : i32
      %add3A_22 = arith.constant 0 : i32
      %add3A_23 = arith.addi %add3A_22, %mul3A_21 : i32
      %get3A = arith.index_cast %add3A_23 : i32 to index
      %get3A_24 = tpu.vector_load %arg4[%get3A] {strides = array<i32>} : memref<10000xi32, #tpu.memory_space<vmem>>, vector<16xi32>,
      tpu.vector_store_idx %arg5[%get3A_24], %broadcast_in_dim3A_3 {add = true} : memref<10016xf32, #tpu.memory_space<vmem>>[vector<16xi32>], vector<16xf32>,
    }
    %scan3A_18 = arith.constant 625 : i32
    "tpu.region"() ({
      %run_scoped3A = tpu.sem_alloc : memref<!tpu.dma_semaphore, #tpu.memory_space<semaphore_mem>>
      %dma_start3A_19 = arith.constant 0 : i32
      %dma_start3A_20 = tpu.memref_slice %arg3[%add3A, %dma_start3A_19] : memref<32x10016xf32, #tpu.memory_space<hbm>> -> memref<1x10016xf32, #tpu.memory_space<hbm>>
      %dma_start3A_21 = tpu.memref_squeeze %dma_start3A_20 : memref<1x10016xf32, #tpu.memory_space<hbm>> -> memref<10016xf32, #tpu.memory_space<hbm>>
      %dma_start3A_22 = arith.constant 0 : i32
      %dma_start3A_23 = tpu.memref_slice %arg3[%add3A, %dma_start3A_22] : memref<32x10016xf32, #tpu.memory_space<hbm>> -> memref<1x10016xf32, #tpu.memory_space<hbm>>
      %dma_start3A_24 = tpu.memref_squeeze %dma_start3A_23 : memref<1x10016xf32, #tpu.memory_space<hbm>> -> memref<10016xf32, #tpu.memory_space<hbm>>
      tpu.enqueue_dma source(%arg5 : memref<10016xf32, #tpu.memory_space<vmem>>) target(%dma_start3A_24 : memref<10016xf32, #tpu.memory_space<hbm>>) target_semaphore(%run_scoped3A : memref<!tpu.dma_semaphore, #tpu.memory_space<semaphore_mem>>)
      %dma_wait3A_25 = arith.constant 0 : i32
      %dma_wait3A_26 = tpu.memref_slice %arg3[%add3A, %dma_wait3A_25] : memref<32x10016xf32, #tpu.memory_space<hbm>> -> memref<1x10016xf32, #tpu.memory_space<hbm>>
      %dma_wait3A_27 = tpu.memref_squeeze %dma_wait3A_26 : memref<1x10016xf32, #tpu.memory_space<hbm>> -> memref<10016xf32, #tpu.memory_space<hbm>>
      %dma_wait3A_28 = arith.constant 0 : i32
      %dma_wait3A_29 = tpu.memref_slice %arg3[%add3A, %dma_wait3A_28] : memref<32x10016xf32, #tpu.memory_space<hbm>> -> memref<1x10016xf32, #tpu.memory_space<hbm>>
      %dma_wait3A_30 = tpu.memref_squeeze %dma_wait3A_29 : memref<1x10016xf32, #tpu.memory_space<hbm>> -> memref<10016xf32, #tpu.memory_space<hbm>>
      tpu.wait_dma2 semaphore(%run_scoped3A : memref<!tpu.dma_semaphore, #tpu.memory_space<semaphore_mem>>) src(%arg5 : memref<10016xf32, #tpu.memory_space<vmem>>) dst(%dma_wait3A_30 : memref<10016xf32, #tpu.memory_space<hbm>>)
      tpu.yield
    }) : () -> ()
    return
  }
}

</mosaic_0001>

<sc_bundles>
// kernel: _degree_partials.3.cloned.1.call-start
scs
__scs_entry_jumppad:
0x0: {  	(pc) =	sbr.rel $0x88, $3  }
0x1: {  	(tag) =	ssettag $0x0;
	lr =	simm.s32 $0x1  }
0x2: {  	[smem:$0x3FA0] =	sst lr;
	_ =	strace $0xD0000000  }
0x3: {  	_ = 	snop  }
0x4: {  	_ = 	snop  }
0x5: {  	_ = 	snop  }
0x6: {  	_ = 	snop  }
0x7: {  	_ = 	snop  }
__scs_overlays_trampoline_lowered:
0x8: {  	[smem:$0x3FAF] =	sst s0  }
0x9: {  	[smem:$0x3FB0] =	sst s1  }
0xa: {  	[smem:$0x3FB1] =	sst s2  }
0xb: {  	[smem:$0x3FB2] =	sst s3  }
0xc: {  	[smem:$0x3FB3] =	sst s4  }
0xd: {  	[smem:$0x3FB4] =	sst s5  }
0xe: {  	[smem:$0x3FB5] =	sst s6  }
0xf: {  	[smem:$0x3FB6] =	sst s7  }
0x10: {  	[smem:$0x3FB7] =	sst s8  }
0x11: {  	[smem:$0x3FB8] =	sst s9;
	s0 =	simm.s32 @!p0 $0x0  }
0x12: {  	s1 =	sld [smem:$0x3F9E];
	s0 =	simm.s32 @p0 $0x1  }
0x13: {  	[smem:$0x3FB9] =	sst s0;
	s0 =	simm.s32 @!p1 $0x0  }
0x14: {  	s2 =	sld [smem:$0x3F9D];
	s0 =	simm.s32 @p1 $0x1  }
0x15: {  	[smem:$0x3FBA] =	sst s0;
	s0 =	simm.s32 @!p2 $0x0  }
0x16: {  	s3 =	sld [smem:$0x3FDB];
	s0 =	simm.s32 @p2 $0x1  }
0x17: {  	s4 =	simm.s32 $0x1BF5;
	[smem:$0x3FBC] =	sst s0  }
0x18: {  	s0 =	sld [smem:$0x3F9F];
	_ =	swait.ge [sflag:s4], $0x0  }
0x19: {  	s7 =	sld [smem:$0x3FA0]  }
0x1a: {  	s8 =	sadd.s32 $0xFFFFE003, lr  }
0x1b: {  	s9 =	sadd.s32 $0xFFFFFEF7, lr;
	s5 =	simm.s32 $0xFFFFFFFF;
	p2 =	slt.u32 s8, $0xFFFFF086  }
0x1c: {  	p1 =	slt.u32 s9, $0xF7A;
	s5 =	simm.s32 @!p2 $0x0  }
0x1d: {  	s5 =	simm.s32 @p1 $0x1;
	p0 =	seq.s32 s7, s2  }
0x1e: {  	s7 =	smul.u32 @!p0 $0xF7A, s2;
	p2 =	seq.s32 @!p0 s5, $0x0  }
0x1f: {  	s9 =	smul.u32 $0xF7A, s1;
	s8 =	simm.s32 @!p0 $0x1BF5;
	p2 =	por !p2, p0  }
0x20: {  	[sflag:s8] =	ssyncset.s32 @!p0 $0xFFFFF086;
	s6 =	sadd.s32 @!p0 s3, s7;
	s7 =	simm.s32 @!p0 $0x108  }
0x21: {  	s3 =	sadd.s32 s3, s9;
	s6 =	sadd.s32 @!p0 $0x88, s6;
	s7 =	simm.s32 @p2 $0x1082  }
0x22: {  	[simem:s7], [sflag:s8] =	dma.local @!p0 [hbm:s6], $0xF7A  }
0x23: {  	s9 =	sor.u32 $0xD0000000, s2;
	s6 =	simm.s32 $0x108;
	_ =	swait.ge @!p0 [sflag:s8], $0x0  }
0x24: {  	s3 =	sadd.s32 $0x88, s3;
	s6 =	simm.s32 @!p1 $0x1082;
	[sflag:s4] =	ssyncset.s32 $0xFFFFF086  }
0x25: {  	[simem:s6], [sflag:s4] =	dma.local [hbm:s3], $0xF7A  }
0x26: {  	[smem:$0x3FA0] =	sst s1;
	(tag) =	ssettag s2;
	_ =	strace s9  }
0x27: {  	s1 =	sld [smem:$0x3FB0]  }
0x28: {  	s2 =	sld [smem:$0x3FB1]  }
0x29: {  	s4 =	sld [smem:$0x3FB3]  }
0x2a: {  	p0 =	seq.s32 s5, $0x0;
	s5 =	sld [smem:$0x3FB4]  }
0x2b: {  	s6 =	sld [smem:$0x3FB5]  }
0x2c: {  	s7 =	sld [smem:$0x3FB6]  }
0x2d: {  	s3 =	simm.s32 $0x108;
	s8 =	sld [smem:$0x3FB7]  }
0x2e: {  	s3 =	simm.s32 @!p0 $0x1082;
	s9 =	sld [smem:$0x3FB8]  }
0x2f: {  	lr =	sadd.s32 s0, s3;
	s0 =	sld [smem:$0x3FAF]  }
0x30: {  	s3 =	sld [smem:$0x3FB2]  }
0x31: {  	[smem:$0x3FBB] =	sst s10  }
0x32: {  	s10 =	sld [smem:$0x3FB9];
	_ =	sdelay $0x3  }
0x33: {  	p0 =	seq.s32 s10, $0x1;
	s10 =	sld [smem:$0x3FBB];
	_ =	sdelay $0x3  }
0x34: {  	[smem:$0x3FBB] =	sst s10  }
0x35: {  	s10 =	sld [smem:$0x3FBA];
	_ =	sdelay $0x3  }
0x36: {  	p1 =	seq.s32 s10, $0x1;
	s10 =	sld [smem:$0x3FBB];
	_ =	sdelay $0x3  }
0x37: {  	[smem:$0x3FBB] =	sst s10  }
0x38: {  	s10 =	sld [smem:$0x3FBC]  }
0x39: {  	_ = 	snop;
	(pc) =	sbr.ind lr, $3  }
0x3a: {  	_ = 	snop  }
0x3b: {  	_ = 	snop  }
0x3c: {  	p2 =	seq.s32 s10, $0x1;
	s10 =	sld [smem:$0x3FBB]  }
0x3d: {  	_ =	shalt  }
0x3e: {  	_ =	shalt  }
0x3f: {  	_ =	shalt  }
0x40: {  	_ =	shalt  }
0x41: {  	_ =	shalt  }
0x42: {  	_ =	shalt  }
0x43: {  	_ =	shalt  }
0x44: {  	_ =	shalt  }
0x45: {  	_ =	shalt  }
0x46: {  	_ =	shalt  }
0x47: {  	_ =	shalt  }
0x48: {  	_ =	shalt  }
0x49: {  	_ =	shalt  }
0x4a: {  	_ =	shalt  }
0x4b: {  	_ =	shalt  }
0x4c: {  	_ =	shalt  }
0x4d: {  	_ =	shalt  }
0x4e: {  	_ =	shalt  }
0x4f: {  	_ =	shalt  }
0x50: {  	_ =	shalt  }
0x51: {  	_ =	shalt  }
0x52: {  	_ =	shalt  }
0x53: {  	_ =	shalt  }
0x54: {  	_ =	shalt  }
0x55: {  	_ =	shalt  }
0x56: {  	_ =	shalt  }
0x57: {  	_ =	shalt  }
0x58: {  	_ =	shalt  }
0x59: {  	_ =	shalt  }
0x5a: {  	_ =	shalt  }
0x5b: {  	_ =	shalt  }
0x5c: {  	_ =	shalt  }
0x5d: {  	_ =	shalt  }
0x5e: {  	_ =	shalt  }
0x5f: {  	_ =	shalt  }
0x60: {  	_ =	shalt  }
0x61: {  	_ =	shalt  }
0x62: {  	_ =	shalt  }
0x63: {  	_ =	shalt  }
0x64: {  	_ =	shalt  }
0x65: {  	_ =	shalt  }
0x66: {  	_ =	shalt  }
0x67: {  	_ =	shalt  }
0x68: {  	_ =	shalt  }
0x69: {  	_ =	shalt  }
0x6a: {  	_ =	shalt  }
0x6b: {  	_ =	shalt  }
0x6c: {  	_ =	shalt  }
0x6d: {  	_ =	shalt  }
0x6e: {  	_ =	shalt  }
0x6f: {  	_ =	shalt  }
0x70: {  	_ =	shalt  }
0x71: {  	_ =	shalt  }
0x72: {  	_ =	shalt  }
0x73: {  	_ =	shalt  }
0x74: {  	_ =	shalt  }
0x75: {  	_ =	shalt  }
0x76: {  	_ =	shalt  }
0x77: {  	_ =	shalt  }
0x78: {  	_ =	shalt  }
0x79: {  	_ =	shalt  }
0x7a: {  	_ =	shalt  }
0x7b: {  	_ =	shalt  }
0x7c: {  	_ =	shalt  }
0x7d: {  	_ =	shalt  }
0x7e: {  	_ =	shalt  }
0x7f: {  	_ =	shalt  }
0x80: {  	_ =	shalt  }
0x81: {  	_ =	shalt  }
0x82: {  	_ =	shalt  }
0x83: {  	_ =	shalt  }
0x84: {  	_ =	shalt  }
0x85: {  	_ =	shalt  }
0x86: {  	_ =	shalt  }
0x87: {  	_ =	shalt  }
.Lfunc_end0:
.L_simem_size_0:
called_computation_lowered:
.L_overlay_start_0:
0x88: {  	s2 =	sld [smem:$0x3FD9]  }
0x89: {  	s3 =	sld [smem:$0x3FFE];
	_ =	sdelay $0x1  }
0x8a: {  	s1 =	srdreg.scid  }
0x8b: {  	s0 =	sand.u32 $0x1, s1  }
0x8c: {  	s18 =	sshll.u32 s0, $0xA;
	s2 =	sadd.s32 s3, s2  }
0x8d: {  	s2 =	sadd.s32 s2, s18  }
0x8e: {  	[smem:$0x3FC7] =	sst s2  }
0x8f: {  	_ = 	snop  }
0x90: {  	s2 =	sld [smem:$0x3FC9]  }
0x91: {  	s19 =	sld [smem:$0x3FD0];
	(tm) =	ssettm $0x1  }
0x92: {  	s4 =	sld [smem:$0x3FFB];
	_ =	sdelay $0x3  }
0x93: {  	_ =	strace s4  }
0x94: {  	s4 =	sld [smem:$0x3FFC];
	_ =	sdelay $0x3  }
0x95: {  	_ =	strace s4  }
0x96: {  	s4 =	sld [smem:$0x3FFD];
	_ =	sdelay $0x3  }
0x97: {  	_ =	strace s4  }
0x98: {  	_ =	strace $0x8FFFFFFF  }
0x99: {  	s20 =	sld [smem:$0x3FDB];
	_ =	sdelay $0x1  }
0x9a: {  	s5 =	simm.s32 $_scs_section_size  }
0x9b: {  	s6 =	simm.s32 $_size__tile_overlayer_lowered;
	s7 =	simm.s32 $_tile_overlayer_lowered  }
0x9c: {  	s23 =	simm.s32 $0x1BFF;
	s22 =	sshll.u32 s7, $0x1;
	s4 =	sadd.s32 s5, s20  }
0x9d: {  	s8 =	simm.s32 $0x0;
	s21 =	sshll.u32 s6, $0x1;
	s6 =	sadd.s32 s22, s4  }
0x9e: {  	[timem:s8], [sflag:s23] =	dma.local [hbm:s6], s21  }
0x9f: {  	_ =	swait.ge [sflag:s23], s21  }
0xa0: {  	s5 =	ssub.s32 $0x0, s21;
	[sflag:s23] =	ssyncset.done $0x0  }
0xa1: {  	[sflag:s23] =	ssyncadd.s32 s5;
	_ =	sdelay $0x1  }
0xa2: {  	s24 =	simm.s32 $0x1B8B  }
0xa3: {  	_ =	swait.ge [sflag:s24], $0x1  }
0xa4: {  	[sflag:s24] =	ssyncset.done $0x0  }
0xa5: {  	s25 =	simm.s32 $0x1B8E;
	[sflag:s24] =	ssyncadd.s32 $0xFFFFFFFF  }
0xa6: {  	s26 =	simm.s32 $execute0_lowered;
	[smem:$0x3FD2] =	sst s25  }
0xa7: {  	s5 =	sshll.u32 s26, $0x1;
	_ =	strace $0x80000046;
	[dreg:$0x1] =	wrdreg $0xFFFFFFFF  }
0xa8: {  	s28 =	simm.s32 $_size_execute0_lowered;
	s4 =	sadd.s32 s4, s5;
	[dreg:$0x0] =	wrdreg $0x0  }
0xa9: {  	s5 =	sshll.u32 s28, $0x1;
	[dreg:$0x2] =	wrdreg s4  }
0xaa: {  	[dreg:$0x3] =	wrdreg s5  }
0xab: {  	[dreg:$0x4] =	wrdreg $0xC0  }
0xac: {  	_ =	task [dreg:s8], $0x5FFFF  }
0xad: {  	[dreg:$0x1] =	wrdreg $0xFFFFFFFF  }
0xae: {  	[dreg:$0x0] =	wrdreg $0x60  }
0xaf: {  	[dreg:$0x2] =	wrdreg s2  }
0xb0: {  	[dreg:$0x3] =	wrdreg s19  }
0xb1: {  	[dreg:$0x4] =	wrdreg $0x9  }
0xb2: {  	_ =	task.clear_ibuf [dreg:s8], $0x5FFFF;
	_ =	strace $0x90000046  }
0xb3: {  	s29 =	simm.s32 $0x9;
	_ =	strace $0x80000048  }
0xb4: {  	_ =	swait.ge [sflag:s29], $0x1  }
0xb5: {  	[sflag:s29] =	ssyncadd.s32 $0xFFFFFFFF  }
0xb6: {  	_ =	strace $0x90000048  }
0xb7: {  	_ =	sfence  }
0xb8: {  	s30 =	sld [smem:$0x0];
	_ =	sdelay $0x2  }
0xb9: {  	s31 =	sshll.u32 s1, $0xD;
	s1 =	sshrl.u32 s1, $0x2  }
0xba: {  	s3 =	sand.u32 $0x4000, s31;
	s1 =	sadd.s32 s1, s30  }
0xbb: {  	s0 =	sor.u32 s3, s0;
	s1 =	sshll.u32 s1, $0x11  }
0xbc: {  	s0 =	sor.u32 s1, s0  }
0xbd: {  	s0 =	sadd.s32 $0x8F2B, s0  }
0xbe: {  	[sflag:s0] =	ssyncadd.remote.s32 $0x1  }
0xbf: {  	_ =	sfence.sel $0xFFFF  }
0xc0: {  	[dreg:$0x0] =	wrdreg $0xFFFFFFFF;
	(pc) =	sbr.abs _section_cstart, $3  }
0xc1: {  	[dreg:$0x1] =	wrdreg $0xFFFFFFFF  }
0xc2: {  	_ =	task.clear_ibuf [dreg:s8], $0x2FFFF;
	_ =	strace $0x9FFFFFFF  }
0xc3: {  	(tm) =	ssettm $0x7FFFFFFF  }
tec
execute0_lowered:
.L_overlay_start_1:
0x0: {  	(tag) =	ssettag $0x1  }
0x1: {  	s0 =	srdreg.scid;
	s3 =	rddreg [dreg:$0x0]  }
0x2: {  	s5 =	rddreg [dreg:$0x1];
	s1 =	stileid.u32;
	s10 =	simm.s32 $0x2  }
0x3: {  	s11 =	simm.s32 $0x0;
	s4 =	sand.u32 $0x1, s0;
	s0 =	rddreg [dreg:$0x2]  }
0x4: {  	s8 =	sshll.u32 s1, $0x7;
	s2 =	sshll.u32 s4, $0x4;
	s4 =	ssub.s32 $0x2, s4  }
0x5: {  	s8 =	sand.u32 $0x380, s8;
	s6 =	sor.u32 s1, s2;
	s2 =	simm.s32 $0x0  }
0x6: {  	s9 =	sshrl.u32 s4, $0x1;
	s7 =	smul.u32 $0x2710, s6;
	s6 =	sshrl.u32 s6, $0x3  }
0x7: {  	[smem:$0x7FF] =	sst s2;
	s30 =	ssub.s32 s4, s9;
	s6 =	smul.u32 $0x13C00, s6  }
0x8: {  	s9 =	simm.s32 $0x400;
	_ =	strace $0x80000047;
	s7 =	sshrl.u32 s7, $0x3  }
0x9: {  	s6 =	sor.u32 s8, s6;
	s3 =	sadd.s32 s3, s7;
	s7 =	simm.s32 $0x2780  }
0xa: {  	s8 =	simm.s32 $0x80;
	s31 =	sshrl.u32 s6, $0x3;
	s3 =	sadd.s32 $0x9C40, s3  }
0xb: {  	v0 =	vimm.f32 $0.0e+00;
	v1 =	vimm.f32 $1.000000000e+00;
	s6 =	simm.s32 $0x1;
	s4 =	sadd.s32 s5, s31;
	s5 =	smax.u32 s30, $0x1  }
.LBB2_1:
0xc: {  	[tilespmem:s2], [sflag:$0x1] =	stream.linear.gather [hbm4b:s3+s2], $0x2710, $0x38;
	[tilespmem:$0x4F00] =	vst v63  }
0xd: {  	s12 =	simm.s32 $0x40;
	s13 =	simm.s32 $0x0  }
.LBB2_2:
0xe: {  	p0 =	sne.s32 s12, $0x9C40;
	[tilespmem:s13+$0x2780] =	vst v0;
	s13 =	smov.u32 s12;
	s12 =	sadd.s32 $0x40, s12  }
.Ltmp0:
0xf: {  	(pc) =	sbr.rel @p0 .LBB2_2-.Ltmp0, $2  }
0x10: {  	_ =	sdelay $0x2  }
0x11: {  	s13 =	sshra.s32 s13, $0x2  }
0x12: {  	[tilespmem:s13+$0x2780] =	vst v0  }
0x13: {  	_ =	swait.ge [sflag:s6], $0x2710  }
0x14: {  	[sflag:s6] =	ssyncset.done $0x0  }
0x15: {  	s13 =	simm.s32 $0x0;
	s12 =	simm.s32 $0x40;
	[sflag:s6] =	ssyncadd.s32 $0xFFFFD8F0  }
.LBB2_4:
0x16: {  	p0 =	sne.s32 s12, $0x9C00;
	v2 =	vld [tilespmem:s13+$0x0];
	_ =	sdelay $0x3  }
.Ltmp1:
0x17: {  	(pc) =	sbr.rel @p0 .LBB2_4-.Ltmp1, $2  }
0x18: {  	_ =	sdelay $0x2  }
0x19: {  	s13 =	sshra.s32 s12, $0x2;
	s12 =	sadd.s32 $0x40, s12;
	[tilespmem:v2+s7+$0x0] =	vst.idx.add.f32.msk $0xffff, v1  }
0x1a: {  	v2 =	vld [tilespmem:s13+$0x0];
	_ =	sdelay $0x5  }
0x1b: {  	s11 =	sadd.s32 $0x1, s11  }
0x1c: {  	p0 =	sne.s32 s11, s5  }
.Ltmp2:
0x1d: {  	[tilespmem:v2+s7+$0x0] =	vst.idx.add.f32.msk $0xffff, v1;
	(pc) =	sbr.rel @p0 .LBB2_1-.Ltmp2, $4  }
0x1e: {  	[hbm4b:s4+s8] =	stream.strided.scatter [tilespmem:s7], [sflag:$0x2], $0x2780, s9, s8, $0x38;
	[tilespmem:$0x4F00] =	vst v63  }
0x1f: {  	_ =	swait.ge [sflag:s10], $0x2780  }
0x20: {  	[sflag:s10] =	ssyncset.done $0x0  }
0x21: {  	[sflag:s10] =	ssyncadd.s32 $0xFFFFD880  }
0x22: {  	_ =	sfence.sel $0x180000  }
0x23: {  	[bflag:$0x0] =	sbarrier.arrive $0xFFFF  }
0x24: {  	p0 =	sne.s32 s1, $0x0;
	_ =	strace $0x90000047  }
0x25: {  	s0 =	sadd.s32 @!p0 $0x100000, s0;
	[bflag:$0x2] =	sbarrier.arrive $0xFFFF  }
0x26: {  	[sflag:s0] =	ssyncadd.tile.s32 @!p0 $0x1;
	_ =	shalt  }
.Lfunc_end2:
_tile_overlayer_lowered:
.L_overlay_start_2:
0x27: {  	(tag) =	ssettag $0x2  }
0x28: {  	s0 =	rddreg [dreg:$0x0];
	s2 =	stileid.u32  }
0x29: {  	s1 =	rddreg [dreg:$0x1];
	p0 =	sne.s32 s2, $0x0  }
0x2a: {  	s3 =	rddreg [dreg:$0x2];
	[bflag:$0x3] =	sbarrier.arrive $0xFFFF;
	s2 =	simm.s32 @!p0 $0x1C02  }
0x2b: {  	[timem:s3], [sflag:s2] =	dma.local @!p0 [hbm:s0], s1  }
0x2c: {  	s0 =	simm.s32 @!p0 $0x2  }
0x2d: {  	_ =	swait.ge @!p0 [sflag:s0], s1  }
0x2e: {  	s1 =	ssub.s32 @!p0 $0x0, s1;
	[sflag:s0] =	ssyncset.done @!p0 $0x0  }
0x2f: {  	[sflag:s0] =	ssyncadd.s32 @!p0 s1  }
0x30: {  	[bflag:$0x3] =	sbarrier.arrive $0xFFFF  }
0x31: {  	_ =	shalt  }

</sc_bundles>
